<compile_context>
chip_gen: v7x
topology: tpu7x:2x2x1
jax: 0.10.2.dev20260603
libtpu: 0.0.44.dev20260713+nightly
codegen_flags: <defaults>
</compile_context>

<pallas_src>
import numpy as np
import jax
import jax.numpy as jnp
from jax.experimental import pallas as pl
from jax.experimental.pallas import tpu as pltpu


def _build_selector(C: int, R: int) -> np.ndarray:
    CR = C * R
    o = np.arange(C * CR)
    i = o // CR
    m = o % CR
    r = m % R
    w = np.zeros((2 * CR, C * CR), np.float32)
    w[i * R + r, o] = 1.0
    w[CR + m, o] = 1.0
    return w


def _product_body(x_ref, w_ref, o_ref):
    o_ref[...] = jnp.dot(
        x_ref[...], w_ref[...], preferred_element_type=jnp.float32
    )


def kernel(log_likelihoods):
    B, F, C, R = log_likelihoods.shape
    F2 = F // 2
    CR = C * R
    N = B * F2
    x2 = log_likelihoods.reshape(N, 2 * CR)
    w = jnp.asarray(_build_selector(C, R))
    bM = 1024
    out = pl.pallas_call(
        _product_body,
        grid=(N // bM,),
        in_specs=[
            pl.BlockSpec((bM, 2 * CR), lambda g: (g, 0)),
            pl.BlockSpec((2 * CR, C * CR), lambda g: (0, 0)),
        ],
        out_specs=pl.BlockSpec((bM, C * CR), lambda g: (g, 0)),
        out_shape=jax.ShapeDtypeStruct((N, C * CR), jnp.float32),
        compiler_params=pltpu.CompilerParams(
            dimension_semantics=("arbitrary",),
        ),
    )(x2, w)
    return out.reshape(B, F2, C * C, R)

# --- scband reference (transcript-rebuilt; emitter-appended) ---
"""Pipeline reference for scband-base-product-81432579932829 (READ-ONLY COPY).

The authoritative reference and input builder live on the scoring server;
editing this copy changes nothing except your own understanding.
"""

import jax, jax.numpy as jnp
import numpy as np

# BaseProduct is an abstract product layer in a probabilistic circuit. We model the
# canonical concrete subclass (a cross/outer product over adjacent feature pairs,
# as in RAT-SPN / EinsumNetworks): log p(out) = log p(left child) + log p(right child),
# taking the cross product over the channel axis so out_channels = C * C and
# out_features = F // 2. This is the standard realization of the channel-index
# mapping defined by map_out_channels_to_in_channels.

def setup_inputs(seed: int = 0) -> dict:
    key = jax.random.key(seed)
    # child log-likelihoods: [batch, features, channels, repetitions]
    log_likelihoods = jax.random.normal(key, (64, 256, 16, 4), dtype=jnp.float32)
    return {"log_likelihoods": log_likelihoods}

def reference(log_likelihoods):
    B, F, C, R = log_likelihoods.shape
    # split disjoint scopes into left/right partners
    left = log_likelihoods[:, 0::2, :, :]   # [B, F/2, C, R]
    right = log_likelihoods[:, 1::2, :, :]  # [B, F/2, C, R]
    # factorized joint: sum of log-likelihoods, cross product over channels
    out = left[:, :, :, None, :] + right[:, :, None, :, :]  # [B, F/2, C, C, R]
    return out.reshape(B, F // 2, C * C, R)

if __name__ == "__main__":
    import jax
    _d = setup_inputs()
    print(jax.jit(kernel)(*tuple(_d.values())))

</pallas_src>

<mosaic_0001>
module attributes {stable_mosaic.version = 14 : i64} {
  func.func @_product_body(%arg0: i32, %arg1: memref<1024x128xf32, #tpu.memory_space<vmem>>, %arg2: memref<128x1024xf32, #tpu.memory_space<vmem>>, %arg3: memref<1024x1024xf32, #tpu.memory_space<vmem>>) attributes {dimension_semantics = [#tpu.dimension_semantics<arbitrary>], iteration_bounds = array<i64: 8>, scalar_prefetch = 0 : i64, scratch_operands = 0 : i64, tpu.core_type = #tpu.core_type<tc>, window_params = [{transform_indices = @transform_0, window_bounds = array<i64: 1024, 128>}, {pipeline_mode = #tpu.pipeline_mode<synchronous>, transform_indices = @transform_1, window_bounds = array<i64: 128, 1024>}, {transform_indices = @transform_2, window_bounds = array<i64: 1024, 1024>}]} {
    %get3A = arith.constant 0 : index
    %get3A_0 = arith.constant 0 : index
    %get3A_1 = vector.load %arg1[%get3A, %get3A_0] : memref<1024x128xf32, #tpu.memory_space<vmem>>, vector<1024x128xf32>
    %get3A_2 = arith.constant 0 : index
    %get3A_3 = arith.constant 0 : index
    %get3A_4 = vector.load %arg2[%get3A_2, %get3A_3] : memref<128x1024xf32, #tpu.memory_space<vmem>>, vector<128x1024xf32>
    %dot_general3A = arith.constant dense<0.000000e+00> : vector<1024x1024xf32>
    %dot_general3A_5 = tpu.matmul %get3A_1, %get3A_4, %dot_general3A {dimension_numbers = #tpu.dot_dimension_numbers<[1], [0], [0], [1], [0, 0, 1, 1], [], []>, transpose_lhs_hint = false} : vector<1024x128xf32>, vector<128x1024xf32>, vector<1024x1024xf32> -> vector<1024x1024xf32>
    %swap3A = arith.constant 0 : index
    %swap3A_6 = arith.constant 0 : index
    %swap3A_7 = vector.load %arg3[%swap3A, %swap3A_6] : memref<1024x1024xf32, #tpu.memory_space<vmem>>, vector<1024x1024xf32>
    tpu.vector_store %arg3[%swap3A, %swap3A_6], %dot_general3A_5 {strides = array<i32>} : memref<1024x1024xf32, #tpu.memory_space<vmem>>, vector<1024x1024xf32>,
    return
  }
  func.func @transform_0(%arg0: i32) -> (i32, i32) {
    %c0_i32 = arith.constant 0 : i32
    %c0_i32_0 = arith.constant 0 : i32
    return %arg0, %c0_i32 : i32, i32
  }
  func.func @transform_1(%arg0: i32) -> (i32, i32) {
    %c0_i32 = arith.constant 0 : i32
    %c0_i32_0 = arith.constant 0 : i32
    %c0_i32_1 = arith.constant 0 : i32
    return %c0_i32, %c0_i32_0 : i32, i32
  }
  func.func @transform_2(%arg0: i32) -> (i32, i32) {
    %c0_i32 = arith.constant 0 : i32
    %c0_i32_0 = arith.constant 0 : i32
    return %arg0, %c0_i32 : i32, i32
  }
}

</mosaic_0001>

<sc_bundles>
// kernel: sparse-core-data-format-call.cloned.1.call-start
scs
called_computation_lowered:
.L_overlay_start_0:
0x0: {  	s2 =	sld [smem:$0x3FD9]  }
0x1: {  	s3 =	sld [smem:$0x3FFE];
	_ =	sdelay $0x1  }
0x2: {  	s1 =	srdreg.scid  }
0x3: {  	s0 =	sand.u32 $0x1, s1  }
0x4: {  	s18 =	sshll.u32 s0, $0xA;
	s2 =	sadd.s32 s3, s2  }
0x5: {  	s2 =	sadd.s32 s2, s18  }
0x6: {  	[smem:$0x3FC7] =	sst s2  }
0x7: {  	_ = 	snop  }
0x8: {  	s2 =	sld [smem:$0x3FD0];
	(tm) =	ssettm $0x1  }
0x9: {  	s19 =	sld [smem:$0x3FFB];
	_ =	sdelay $0x3  }
0xa: {  	_ =	strace s19  }
0xb: {  	s3 =	sld [smem:$0x3FFC];
	_ =	sdelay $0x3  }
0xc: {  	_ =	strace s3  }
0xd: {  	s3 =	sld [smem:$0x3FFD];
	_ =	sdelay $0x3  }
0xe: {  	_ =	strace s3  }
0xf: {  	_ =	strace $0x8FFFFFFF  }
0x10: {  	s20 =	sld [smem:$0x3FDB];
	_ =	sdelay $0x1  }
0x11: {  	s4 =	simm.s32 $_scs_section_size  }
0x12: {  	s5 =	simm.s32 $_size__tile_overlayer_lowered;
	s6 =	simm.s32 $_tile_overlayer_lowered  }
0x13: {  	s23 =	simm.s32 $0x1BFF;
	s22 =	sshll.u32 s6, $0x1;
	s3 =	sadd.s32 s4, s20  }
0x14: {  	s7 =	simm.s32 $0x0;
	s21 =	sshll.u32 s5, $0x1;
	s5 =	sadd.s32 s22, s3  }
0x15: {  	[timem:s7], [sflag:s23] =	dma.local [hbm:s5], s21  }
0x16: {  	_ =	swait.ge [sflag:s23], s21  }
0x17: {  	s4 =	ssub.s32 $0x0, s21;
	[sflag:s23] =	ssyncset.done $0x0  }
0x18: {  	[sflag:s23] =	ssyncadd.s32 s4;
	_ =	sdelay $0x1  }
0x19: {  	s24 =	simm.s32 $0x1B8B  }
0x1a: {  	_ =	swait.ge [sflag:s24], $0x1  }
0x1b: {  	[sflag:s24] =	ssyncset.done $0x0  }
0x1c: {  	s26 =	simm.s32 $0x1B8E;
	s25 =	sld [smem:$0x3FFE];
	[sflag:s24] =	ssyncadd.s32 $0xFFFFFFFF  }
0x1d: {  	s27 =	simm.s32 $execute0_lowered;
	[smem:$0x3FD2] =	sst s26  }
0x1e: {  	s5 =	sshll.u32 s27, $0x1;
	_ =	strace $0x80000046;
	[dreg:$0x1] =	wrdreg $0xFFFFFFFF  }
0x1f: {  	s28 =	simm.s32 $_size_execute0_lowered;
	s3 =	sadd.s32 s3, s5;
	[dreg:$0x0] =	wrdreg $0x0  }
0x20: {  	s5 =	sshll.u32 s28, $0x1;
	[dreg:$0x2] =	wrdreg s3  }
0x21: {  	[dreg:$0x3] =	wrdreg s5  }
0x22: {  	[dreg:$0x4] =	wrdreg $0xC0  }
0x23: {  	_ =	task [dreg:s7], $0x5FFFF  }
0x24: {  	[dreg:$0x1] =	wrdreg $0xFFFFFFFF  }
0x25: {  	[dreg:$0x0] =	wrdreg $0x60  }
0x26: {  	[dreg:$0x2] =	wrdreg s25  }
0x27: {  	[dreg:$0x3] =	wrdreg s2  }
0x28: {  	[dreg:$0x4] =	wrdreg $0x9  }
0x29: {  	_ =	task.clear_ibuf [dreg:s7], $0x5FFFF;
	_ =	strace $0x90000046  }
0x2a: {  	s29 =	simm.s32 $0x9;
	_ =	strace $0x80000048  }
0x2b: {  	_ =	swait.ge [sflag:s29], $0x1  }
0x2c: {  	[sflag:s29] =	ssyncadd.s32 $0xFFFFFFFF  }
0x2d: {  	_ =	strace $0x90000048  }
0x2e: {  	_ =	sfence  }
0x2f: {  	s30 =	sld [smem:$0x0];
	_ =	sdelay $0x2  }
0x30: {  	s31 =	sshll.u32 s1, $0xD;
	s1 =	sshrl.u32 s1, $0x2  }
0x31: {  	s3 =	sand.u32 $0x4000, s31;
	s1 =	sadd.s32 s1, s30  }
0x32: {  	s0 =	sor.u32 s3, s0;
	s1 =	sshll.u32 s1, $0x11  }
0x33: {  	s0 =	sor.u32 s1, s0  }
0x34: {  	s0 =	sadd.s32 $0x8F2B, s0  }
0x35: {  	[sflag:s0] =	ssyncadd.remote.s32 $0x1  }
0x36: {  	_ =	sfence.sel $0xFFFF  }
0x37: {  	[dreg:$0x0] =	wrdreg $0xFFFFFFFF;
	(pc) =	sbr.abs _section_cstart, $3  }
0x38: {  	[dreg:$0x1] =	wrdreg $0xFFFFFFFF  }
0x39: {  	_ =	task.clear_ibuf [dreg:s7], $0x2FFFF;
	_ =	strace $0x9FFFFFFF  }
0x3a: {  	(tm) =	ssettm $0x7FFFFFFF  }
0x3b: {  	_ =	shalt  }
tec
execute0_lowered:
.L_overlay_start_1:
0x0: {  	(tag) =	ssettag $0x1  }
0x1: {  	s4 =	rddreg [dreg:$0x0]  }
0x2: {  	s0 =	stileid.u32;
	s2 =	rddreg [dreg:$0x1]  }
0x3: {  	s3 =	srdreg.scid;
	s1 =	rddreg [dreg:$0x2];
	_ =	strace $0x80000047  }
0x4: {  	s31 =	simm.s32 $0x2;
	s15 =	simm.s32 $0x0;
	p0 =	por $0x0, $0x0  }
0x5: {  	s17 =	simm.s32 $0x0;
	s16 =	simm.s32 $0x0;
	s14 =	simm.s32 $0x0  }
0x6: {  	s5 =	sshll.u32 s0, $0x7;
	s6 =	sshll.u32 s3, $0x4;
	s4 =	sadd.s32 $0x100600, s4  }
0x7: {  	s7 =	sshrl.u32 s0, $0x1;
	s3 =	sand.u32 $0x80, s5;
	s27 =	sand.u32 $0x10, s6  }
0x8: {  	s5 =	sand.u32 $0x3, s7;
	s6 =	simm.s32 $0x1;
	s28 =	ssub.s32 $0x100, s3  }
.Ltmp0:
0x9: {  	s8 =	sor.u32 s0, s27;
	s29 =	sshrl.u32 s28, $0x7;
	(pc) =	sbr.rel .LBB1_1-.Ltmp0, $4  }
0xa: {  	[sflag:s6] =	ssyncpa.u1 $0x0;
	s9 =	sshrl.u32 s28, $0x8;
	s10 =	sand.u32 $0x1, s29  }
0xb: {  	s12 =	smov.u32 s5;
	s13 =	smov.u32 s3;
	s30 =	sadd.s32 s9, s10  }
0xc: {  	s8 =	sshrl.u32 s8, $0x3;
	[sflag:s31] =	ssyncpa.u1 $0x0;
	s7 =	sshll.u32 s30, $0x4  }
0xd: {  	s11 =	smov.u32 s8;
	s10 =	simm.s32 $0x400;
	s9 =	sor.u32 $0x1, s7  }
.LBB1_4:
0xe: {  	v5 =	vld [tilespmem:s21+$0xFFFFFFD0];
	[tilespmem:s20+$0x2040 ss:$0x81] =	vst.msk $0xffff, v1  }
0xf: {  	v58 =	vld [tilespmem:s21+$0xFFFFFFE0];
	[tilespmem:s20+$0x2850 ss:$0x81] =	vst.msk $0xffff, v2  }
0x10: {  	s22 =	sshra.s32 s22, $0x2;
	v59 =	vld [tilespmem:s21+$0xFFFFFFF0];
	[tilespmem:s20+$0x3060 ss:$0x81] =	vst.msk $0xffff, v3  }
0x11: {  	v60 =	vld [tilespmem:s21+$0x0];
	[tilespmem:s20+$0x0 ss:$0x81] =	vst.msk $0xffff, v0;
	s19 =	sadd.s32 s22, s19  }
0x12: {  	v61 =	vld [tilespmem:s21+$0x10];
	[tilespmem:s19+$0x3870 ss:$0x81] =	vst.msk $0xffff, v4  }
0x13: {  	v62 =	vld [tilespmem:s21+$0x20];
	[tilespmem:s19+$0x810 ss:$0x81] =	vst.msk $0xffff, v5  }
0x14: {  	v63 =	vld [tilespmem:s21+$0xFFFFFFC0];
	s29 =	sshll.u32 s16, $0x2;
	[tilespmem:s19+$0x1020 ss:$0x81] =	vst.msk $0xffff, v58  }
0x15: {  	s30 =	sand.u32 $0x78, s16;
	s17 =	sshll.u32 s17, $0x7;
	s20 =	sand.u32 $0x200, s29;
	[tilespmem:s19+$0x1830 ss:$0x81] =	vst.msk $0xffff, v59  }
0x16: {  	s17 =	sand.u32 $0x180, s17;
	s20 =	sor.u32 s30, s20;
	[tilespmem:s19+$0x2040 ss:$0x81] =	vst.msk $0xffff, v60  }
0x17: {  	s15 =	sshll.u32 s15, $0xE;
	s31 =	sand.u32 $0x7, s16;
	s17 =	sor.u32 s17, s20;
	[tilespmem:s19+$0x2850 ss:$0x81] =	vst.msk $0xffff, v61  }
0x18: {  	s15 =	sadd.s32 s2, s15;
	s16 =	sshll.u32 s31, $0x12;
	s17 =	sshrl.u32 s17, $0x3;
	[tilespmem:s19+$0x3060 ss:$0x81] =	vst.msk $0xffff, v62  }
0x19: {  	s16 =	sor.u32 $0x80, s16;
	[tilespmem:s19+$0x0 ss:$0x81] =	vst.msk $0xffff, v63;
	s15 =	sadd.s32 s17, s15  }
0x1a: {  	[hbm4b:s15+s16] =	stream.strided.scatter [tilespmem:s18], [sflag:$0x2], $0x4000, s10, s16, $0x20;
	[tilespmem:$0x10100] =	vst v63  }
.LBB1_5:
0x1b: {  	s18 =	sadd.s32 $0x4, s11  }
0x1c: {  	s15 =	sadd.s32 $0x4, s12;
	s19 =	smov.u32 s12;
	p2 =	sgt.s32 s18, $0x3F  }
0x1d: {  	s19 =	smov.u32 @p2 s15  }
0x1e: {  	s21 =	smov.u32 s13;
	s15 =	sadd.s32 $0x100, s13;
	p3 =	sgt.s32 s19, $0x3  }
0x1f: {  	s21 =	smov.u32 @p3 s15  }
0x20: {  	s18 =	smov.u32 @p2 s8;
	p2 =	sgt.s32 s21, $0xFF  }
0x21: {  	p1 =	slt.u32 s14, $0x2;
	s21 =	smov.u32 @p2 s3;
	p2 =	sne.s32 s14, s9  }
.Ltmp1:
0x22: {  	s20 =	simm.s32 @!p1 $0x2;
	(pc) =	sbr.rel @!p2 .LBB1_6-.Ltmp1, $4  }
0x23: {  	s17 =	smov.u32 s12;
	s16 =	smov.u32 s13;
	_ =	swait.ge @!p1 [sflag:s20], $0x4000  }
0x24: {  	p0 =	por !p0, !p0;
	[sflag:s20] =	ssyncset.done @!p1 $0x0;
	s19 =	smov.u32 @p3 s5  }
0x25: {  	s15 =	smov.u32 s11;
	[sflag:s20] =	ssyncadd.s32 @!p1 $0xFFFFC000;
	s11 =	smov.u32 s18  }
0x26: {  	s12 =	smov.u32 s19;
	s14 =	sadd.s32 $0x1, s14;
	s13 =	smov.u32 s21  }
.LBB1_1:
0x27: {  	p1 =	sge.u32 s14, s7;
	s31 =	sadd.s32 $0xFFFFFFFF, s14  }
0x28: {  	s18 =	sxor.u32 @!p1 $0xFFFFFFFF, s14;
	s19 =	sshll.u32 @!p1 s13, $0xC;
	s20 =	sshll.u32 @!p1 s12, $0xA  }
0x29: {  	s21 =	sshll.u32 @!p1 s11, $0x4;
	s18 =	sshll.u32 @!p1 s18, $0xE;
	s19 =	sadd.s32 @!p1 s4, s19  }
0x2a: {  	s21 =	sand.u32 @!p1 $0x3F0, s21;
	s18 =	sand.u32 @!p1 $0x4000, s18;
	s19 =	sadd.s32 @!p1 s20, s19  }
0x2b: {  	s20 =	simm.s32 @!p1 $0x80;
	s19 =	sadd.s32 @!p1 s21, s19;
	s21 =	simm.s32 @!p1 $0x8000  }
0x2c: {  	[tilespmem:s18], [sflag:$0x1] =	stream.strided.gather @!p1 [hbm4b:s19+s20], $0x4000, s21, s20, $0x38;
	[tilespmem:$0x10100] =	vst v63  }
0x2d: {  	p1 =	sge.u32 s31, s7  }
.Ltmp2:
0x2e: {  	_ = 	snop;
	(pc) =	sbr.rel @p1 .LBB1_5-.Ltmp2, $1  }
0x2f: {  	_ =	sdelay $0x3  }
0x30: {  	s18 =	simm.s32 $0x1  }
0x31: {  	_ =	swait.ge [sflag:s6], $0x4000;
	s18 =	simm.s32 @!p0 $0x0  }
0x32: {  	[sflag:s6] =	ssyncset.done $0x0;
	s19 =	sshll.u32 s18, $0xE  }
0x33: {  	[sflag:s6] =	ssyncadd.s32 $0xFFFFC000;
	s21 =	sor.u32 $0x40, s19  }
0x34: {  	s18 =	smul.u32 $0x10200, s18;
	v0 =	vld [tilespmem:s21+$0x30]  }
0x35: {  	v3 =	vld [tilespmem:s21+$0xFFFFFFD0]  }
0x36: {  	s18 =	sshrl.u32 s18, $0x2;
	v4 =	vld [tilespmem:s21+$0xFFFFFFE0]  }
0x37: {  	v5 =	vld [tilespmem:s21+$0xFFFFFFF0];
	s19 =	sor.u32 $0x8000, s18  }
0x38: {  	s31 =	sand.u32 $0x1, s14;
	v1 =	vld [tilespmem:s21+$0x0];
	s20 =	sadd.s32 $0x0, s19  }
0x39: {  	v2 =	vld [tilespmem:s21+$0x10];
	s18 =	smul.u32 $0x10200, s31;
	[tilespmem:s20+$0x3870 ss:$0x81] =	vst.msk $0xffff, v0  }
0x3a: {  	[tilespmem:s20+$0x810 ss:$0x81] =	vst.msk $0xffff, v3;
	v3 =	vld [tilespmem:s21+$0x20]  }
0x3b: {  	s18 =	sshrl.u32 s18, $0x2;
	v0 =	vld [tilespmem:s21+$0xFFFFFFC0];
	[tilespmem:s20+$0x1020 ss:$0x81] =	vst.msk $0xffff, v4;
	s21 =	sadd.s32 $0x80, s21  }
0x3c: {  	s22 =	simm.s32 $0x4;
	s23 =	simm.s32 $0x8;
	s18 =	sor.u32 $0x8000, s18;
	[tilespmem:s20+$0x1830 ss:$0x81] =	vst.msk $0xffff, v5;
	v4 =	vld [tilespmem:s21+$0x30]  }
.LBB1_3:
0x3d: {  	p1 =	sne.s32 s23, $0x1FC;
	v5 =	vld [tilespmem:s21+$0xFFFFFFD0];
	[tilespmem:s20+$0x2040 ss:$0x81] =	vst.msk $0xffff, v1  }
0x3e: {  	v6 =	vld [tilespmem:s21+$0xFFFFFFE0];
	[tilespmem:s20+$0x2850 ss:$0x81] =	vst.msk $0xffff, v2  }
0x3f: {  	s24 =	sshra.s32 s22, $0x2;
	s22 =	smov.u32 s23;
	v7 =	vld [tilespmem:s21+$0xFFFFFFF0];
	[tilespmem:s20+$0x3060 ss:$0x81] =	vst.msk $0xffff, v3  }
.Ltmp3:
0x40: {  	v1 =	vld [tilespmem:s21+$0x0];
	[tilespmem:s20+$0x0 ss:$0x81] =	vst.msk $0xffff, v0;
	s20 =	sadd.s32 s24, s19;
	(pc) =	sbr.rel @p1 .LBB1_3-.Ltmp3, $4  }
0x41: {  	v2 =	vld [tilespmem:s21+$0x10];
	[tilespmem:s20+$0x3870 ss:$0x81] =	vst.msk $0xffff, v4  }
0x42: {  	[tilespmem:s20+$0x810 ss:$0x81] =	vst.msk $0xffff, v5;
	v3 =	vld [tilespmem:s21+$0x20]  }
0x43: {  	v0 =	vld [tilespmem:s21+$0xFFFFFFC0];
	[tilespmem:s20+$0x1020 ss:$0x81] =	vst.msk $0xffff, v6;
	s21 =	sadd.s32 $0x80, s21  }
0x44: {  	s23 =	sadd.s32 $0x4, s23;
	v4 =	vld [tilespmem:s21+$0x30];
	[tilespmem:s20+$0x1830 ss:$0x81] =	vst.msk $0xffff, v7  }
.Ltmp4:
0x45: {  	_ = 	snop;
	(pc) =	sbr.rel .LBB1_4-.Ltmp4, $1  }
0x46: {  	_ =	sdelay $0x3  }
.LBB1_6:
0x47: {  	_ =	sfence.sel $0x180000  }
0x48: {  	s2 =	simm.s32 $0x1;
	[bflag:$0x0] =	sbarrier.arrive $0xFFFF  }
0x49: {  	s31 =	simm.s32 $0x2;
	[sflag:s2] =	ssyncpa.u1 $0x1  }
0x4a: {  	[sflag:s31] =	ssyncpa.u1 $0x1  }
0x4b: {  	p0 =	sne.s32 s0, $0x0;
	_ =	strace $0x90000047  }
0x4c: {  	s0 =	sadd.s32 @!p0 $0x100000, s1;
	[bflag:$0x2] =	sbarrier.arrive $0xFFFF  }
0x4d: {  	[sflag:s0] =	ssyncadd.tile.s32 @!p0 $0x1;
	_ =	shalt  }
.Lfunc_end1:
_tile_overlayer_lowered:
.L_overlay_start_2:
0x4e: {  	(tag) =	ssettag $0x2  }
0x4f: {  	s0 =	rddreg [dreg:$0x0];
	s2 =	stileid.u32  }
0x50: {  	s1 =	rddreg [dreg:$0x1];
	p0 =	sne.s32 s2, $0x0  }
0x51: {  	s3 =	rddreg [dreg:$0x2];
	[bflag:$0x3] =	sbarrier.arrive $0xFFFF;
	s2 =	simm.s32 @!p0 $0x1C01  }
0x52: {  	[timem:s3], [sflag:s2] =	dma.local @!p0 [hbm:s0], s1  }
0x53: {  	s0 =	simm.s32 @!p0 $0x1  }
0x54: {  	_ =	swait.ge @!p0 [sflag:s0], s1  }
0x55: {  	s1 =	ssub.s32 @!p0 $0x0, s1;
	[sflag:s0] =	ssyncset.done @!p0 $0x0  }
0x56: {  	[sflag:s0] =	ssyncadd.s32 @!p0 s1  }
0x57: {  	[bflag:$0x3] =	sbarrier.arrive $0xFFFF  }
0x58: {  	_ =	shalt  }

</sc_bundles>
